<compile_context>
chip_gen: v7x
topology: tpu7x:2x2x1
jax: 0.10.2.dev20260603
libtpu: 0.0.44.dev20260713+nightly
codegen_flags: <defaults>
</compile_context>

<pallas_src>
import functools

import jax
import jax.numpy as jnp
from jax import lax
from jax.experimental import pallas as pl
from jax.experimental.pallas import tpu as pltpu
from jax.experimental.pallas import tpu_sc as plsc

N, C, E = 100000, 128, 4096
B = 2 * E
CHUNK = 128
EBLK = 2048
GRID = E // EBLK


def _gather_body(n_chunks, table_hbm, idx_hbm, out_hbm, idx_v, rows_v,
                 osem, *gsems):
    nc = lax.axis_size("c")
    wid = lax.axis_index("s") * nc + lax.axis_index("c")
    rows_per_w = n_chunks * CHUNK
    base = wid * rows_per_w
    pltpu.sync_copy(idx_hbm.at[pl.ds(wid * n_chunks, n_chunks)], idx_v)
    gathers = [
        pltpu.async_copy(
            table_hbm.at[idx_v.at[b]],
            rows_v.at[pl.ds(b * CHUNK, CHUNK)],
            gsems[b],
        )
        for b in range(n_chunks)
    ]
    outs = []
    for b in range(n_chunks):
        gathers[b].wait()
        outs.append(
            pltpu.async_copy(
                rows_v.at[pl.ds(b * CHUNK, CHUNK)],
                out_hbm.at[pl.ds(base + b * CHUNK, CHUNK)],
                osem,
            )
        )
    for cp in outs:
        cp.wait()


def _loss_body(src_ref, dst_ref, ta_blk_ref, ta_ref, out_ref):
    i = pl.program_id(0)
    xs = src_ref[...]
    xd = dst_ref[...]
    es = jnp.exp(xs - jnp.max(xs, axis=1, keepdims=True))
    ed = jnp.exp(xd - jnp.max(xd, axis=1, keepdims=True))
    num = jnp.sum(es * ed, axis=1, keepdims=True)
    den = jnp.sum(es * es, axis=1, keepdims=True) * \
        jnp.sum(ed * ed, axis=1, keepdims=True)
    sim = num * jax.lax.rsqrt(den)
    sim = (sim + 1.0) * 0.5
    ta = ta_ref[...]
    tmin = jnp.min(ta)
    tmax = jnp.max(ta)
    tan = (ta_blk_ref[...] - tmin) / (tmax - tmin + 1e-8)
    d = sim - tan
    part = jnp.sum(d * d) * (1.0 / E)

    @pl.when(i == 0)
    def _():
        out_ref[0, 0] = 0.0

    out_ref[0, 0] += part


def kernel(student_out, teacher_attn, edge_index):
    info = plsc.get_sparse_core_info()
    nw = 1 * info.num_subcores
    n_chunks = B // (nw * CHUNK)

    idx = jnp.asarray(edge_index, jnp.int32).reshape(nw * n_chunks, CHUNK)

    mesh = plsc.VectorSubcoreMesh(core_axis_name="c", subcore_axis_name="s", num_cores=1)
    gathered = pl.kernel(
        functools.partial(_gather_body, n_chunks),
        out_type=jax.ShapeDtypeStruct((B, C), jnp.float32),
        mesh=mesh,
        scratch_types=[
            pltpu.VMEM((n_chunks, CHUNK), jnp.int32),
            pltpu.VMEM((n_chunks * CHUNK, C), jnp.float32),
            pltpu.SemaphoreType.DMA,
        ] + [pltpu.SemaphoreType.DMA] * n_chunks,
    )(student_out, idx)

    ta = teacher_attn.reshape(E, 1)
    loss = pl.pallas_call(
        _loss_body,
        grid=(GRID,),
        in_specs=[
            pl.BlockSpec((EBLK, C), lambda i: (i, 0)),
            pl.BlockSpec((EBLK, C), lambda i: (i + GRID, 0)),
            pl.BlockSpec((EBLK, 1), lambda i: (i, 0)),
            pl.BlockSpec((E, 1), lambda i: (0, 0)),
        ],
        out_specs=pl.BlockSpec(memory_space=pltpu.SMEM),
        out_shape=jax.ShapeDtypeStruct((1, 1), jnp.float32),
    )(gathered, gathered, ta, ta)

    return loss[0, 0]

# --- scband reference (transcript-rebuilt; emitter-appended) ---
"""Pipeline reference for scband-soft-topology-loss-4698694222570 (READ-ONLY COPY).

The authoritative reference and input builder live on the scoring server;
editing this copy changes nothing except your own understanding.
"""

import jax, jax.numpy as jnp
import numpy as np

N, C, E = 100000, 128, 4096
TEMPERATURE = 1.0

def setup_inputs(seed: int = 0) -> dict:
    key = jax.random.key(seed)
    k1, k2, k3 = jax.random.split(key, 3)
    student_out = jax.random.normal(k1, (N, C), dtype=jnp.float32)
    teacher_attn = jax.random.uniform(k2, (E,), dtype=jnp.float32)
    edge_index = jax.random.randint(k3, (2, E), 0, N).astype(jnp.int64)
    return {"student_out": student_out, "teacher_attn": teacher_attn, "edge_index": edge_index}

def reference(student_out, teacher_attn, edge_index):
    # student_feat = L2-normalize(softmax(student_out / T, dim=1), dim=1)
    p = jax.nn.softmax(student_out / TEMPERATURE, axis=1)
    norm = jnp.linalg.norm(p, ord=2, axis=1, keepdims=True)
    student_feat = p / jnp.maximum(norm, 1e-12)
    src = edge_index[0]
    dst = edge_index[1]
    # num_edges == 4096, so the torch randperm subsampling branch is NOT taken
    student_sim = jnp.sum(student_feat[src] * student_feat[dst], axis=1)
    student_sim = (student_sim + 1.0) / 2.0
    # teacher_attn is 1-D, so no mean over heads
    ta_min = jnp.min(teacher_attn)
    ta_max = jnp.max(teacher_attn)
    ta = (teacher_attn - ta_min) / (ta_max - ta_min + 1e-08)
    loss = jnp.mean((student_sim - ta) ** 2)
    return loss

if __name__ == "__main__":
    import jax
    _d = setup_inputs()
    print(jax.jit(kernel)(*tuple(_d.values())))

</pallas_src>

<mosaic_0001>
#map = affine_map<(d0, d1) -> (0, 0)>
module attributes {stable_mosaic.version = 14 : i64} {
  func.func @_gather_body(%arg0: i32, %arg1: i32, %arg2: memref<100000x128xf32, #tpu.memory_space<hbm>>, %arg3: memref<64x128xi32, #tpu.memory_space<hbm>>, %arg4: memref<8192x128xf32, #tpu.memory_space<hbm>>, %arg5: memref<4x128xi32, #tpu.memory_space<vmem>>, %arg6: memref<512x128xf32, #tpu.memory_space<vmem>>, %arg7: memref<!tpu.dma_semaphore, #tpu.memory_space<semaphore_mem>>, %arg8: memref<!tpu.dma_semaphore, #tpu.memory_space<semaphore_mem>>, %arg9: memref<!tpu.dma_semaphore, #tpu.memory_space<semaphore_mem>>, %arg10: memref<!tpu.dma_semaphore, #tpu.memory_space<semaphore_mem>>, %arg11: memref<!tpu.dma_semaphore, #tpu.memory_space<semaphore_mem>>) attributes {dimension_semantics = [#tpu.dimension_semantics<core_parallel>, #tpu.dimension_semantics<subcore_parallel>], iteration_bounds = array<i64: 1, 16>, scalar_prefetch = 0 : i64, scratch_operands = 7 : i64, tpu.core_type = #tpu.core_type<sc_vector_subcore>, window_params = [{transform_indices = #map}, {transform_indices = #map}, {transform_indices = #map}]} {
    %mul3A = arith.constant 1 : i32
    %mul3A_0 = arith.muli %arg1, %mul3A : i32
    %add3A = arith.addi %mul3A_0, %arg0 : i32
    %mul3A_1 = arith.constant 512 : i32
    %mul3A_2 = arith.muli %add3A, %mul3A_1 : i32
    %mul3A_3 = arith.constant 4 : i32
    %mul3A_4 = arith.muli %add3A, %mul3A_3 : i32
    "tpu.region"() ({
      %run_scoped3A = tpu.sem_alloc : memref<!tpu.dma_semaphore, #tpu.memory_space<semaphore_mem>>
      %dma_start3A_171 = arith.constant 0 : i32
      %dma_start3A_172 = tpu.memref_slice %arg3[%mul3A_4, %dma_start3A_171] : memref<64x128xi32, #tpu.memory_space<hbm>> -> memref<4x128xi32, #tpu.memory_space<hbm>>
      %dma_start3A_173 = arith.constant 0 : i32
      %dma_start3A_174 = tpu.memref_slice %arg3[%mul3A_4, %dma_start3A_173] : memref<64x128xi32, #tpu.memory_space<hbm>> -> memref<4x128xi32, #tpu.memory_space<hbm>>
      tpu.enqueue_dma source(%dma_start3A_174 : memref<4x128xi32, #tpu.memory_space<hbm>>) target(%arg5 : memref<4x128xi32, #tpu.memory_space<vmem>>) target_semaphore(%run_scoped3A : memref<!tpu.dma_semaphore, #tpu.memory_space<semaphore_mem>>)
      %dma_wait3A_175 = arith.constant 0 : i32
      %dma_wait3A_176 = tpu.memref_slice %arg3[%mul3A_4, %dma_wait3A_175] : memref<64x128xi32, #tpu.memory_space<hbm>> -> memref<4x128xi32, #tpu.memory_space<hbm>>
      %dma_wait3A_177 = arith.constant 0 : i32
      %dma_wait3A_178 = tpu.memref_slice %arg3[%mul3A_4, %dma_wait3A_177] : memref<64x128xi32, #tpu.memory_space<hbm>> -> memref<4x128xi32, #tpu.memory_space<hbm>>
      tpu.wait_dma2 semaphore(%run_scoped3A : memref<!tpu.dma_semaphore, #tpu.memory_space<semaphore_mem>>) src(%dma_wait3A_178 : memref<4x128xi32, #tpu.memory_space<hbm>>) dst(%arg5 : memref<4x128xi32, #tpu.memory_space<vmem>>)
      tpu.yield
    }) : () -> ()
    %dma_start3A = arith.constant 0 : i32
    %dma_start3A_5 = arith.constant 0 : i32
    %dma_start3A_6 = arith.constant 0 : i32
    %dma_start3A_7 = tpu.memref_slice %arg6[%dma_start3A_5, %dma_start3A_6] : memref<512x128xf32, #tpu.memory_space<vmem>> -> memref<128x128xf32, #tpu.memory_space<vmem>>
    %dma_start3A_8 = arith.constant 0 : i32
    %dma_start3A_9 = tpu.memref_slice %arg5[%dma_start3A, %dma_start3A_8] : memref<4x128xi32, #tpu.memory_space<vmem>> -> memref<1x128xi32, #tpu.memory_space<vmem>>
    %dma_start3A_10 = tpu.memref_squeeze %dma_start3A_9 : memref<1x128xi32, #tpu.memory_space<vmem>> -> memref<128xi32, #tpu.memory_space<vmem>>
    %dma_start3A_11 = arith.constant 0 : i32
    %dma_start3A_12 = arith.constant 0 : i32
    %dma_start3A_13 = tpu.memref_slice %arg2[%dma_start3A_11, %dma_start3A_12] : memref<100000x128xf32, #tpu.memory_space<hbm>> -> memref<100000x128xf32, #tpu.memory_space<hbm>>
    tpu.enqueue_indirect_dma source(%dma_start3A_13 : memref<100000x128xf32, #tpu.memory_space<hbm>>) target(%dma_start3A_7 : memref<128x128xf32, #tpu.memory_space<vmem>>) offsets(%dma_start3A_10 : memref<128xi32, #tpu.memory_space<vmem>>) semaphore(%arg8 : memref<!tpu.dma_semaphore, #tpu.memory_space<semaphore_mem>>)
    %dma_start3A_14 = arith.constant 1 : i32
    %dma_start3A_15 = arith.constant 128 : i32
    %dma_start3A_16 = arith.constant 0 : i32
    %dma_start3A_17 = tpu.memref_slice %arg6[%dma_start3A_15, %dma_start3A_16] : memref<512x128xf32, #tpu.memory_space<vmem>> -> memref<128x128xf32, #tpu.memory_space<vmem>>
    %dma_start3A_18 = arith.constant 0 : i32
    %dma_start3A_19 = tpu.memref_slice %arg5[%dma_start3A_14, %dma_start3A_18] : memref<4x128xi32, #tpu.memory_space<vmem>> -> memref<1x128xi32, #tpu.memory_space<vmem>>
    %dma_start3A_20 = tpu.memref_squeeze %dma_start3A_19 : memref<1x128xi32, #tpu.memory_space<vmem>> -> memref<128xi32, #tpu.memory_space<vmem>>
    %dma_start3A_21 = arith.constant 0 : i32
    %dma_start3A_22 = arith.constant 0 : i32
    %dma_start3A_23 = tpu.memref_slice %arg2[%dma_start3A_21, %dma_start3A_22] : memref<100000x128xf32, #tpu.memory_space<hbm>> -> memref<100000x128xf32, #tpu.memory_space<hbm>>
    tpu.enqueue_indirect_dma source(%dma_start3A_23 : memref<100000x128xf32, #tpu.memory_space<hbm>>) target(%dma_start3A_17 : memref<128x128xf32, #tpu.memory_space<vmem>>) offsets(%dma_start3A_20 : memref<128xi32, #tpu.memory_space<vmem>>) semaphore(%arg9 : memref<!tpu.dma_semaphore, #tpu.memory_space<semaphore_mem>>)
    %dma_start3A_24 = arith.constant 2 : i32
    %dma_start3A_25 = arith.constant 256 : i32
    %dma_start3A_26 = arith.constant 0 : i32
    %dma_start3A_27 = tpu.memref_slice %arg6[%dma_start3A_25, %dma_start3A_26] : memref<512x128xf32, #tpu.memory_space<vmem>> -> memref<128x128xf32, #tpu.memory_space<vmem>>
    %dma_start3A_28 = arith.constant 0 : i32
    %dma_start3A_29 = tpu.memref_slice %arg5[%dma_start3A_24, %dma_start3A_28] : memref<4x128xi32, #tpu.memory_space<vmem>> -> memref<1x128xi32, #tpu.memory_space<vmem>>
    %dma_start3A_30 = tpu.memref_squeeze %dma_start3A_29 : memref<1x128xi32, #tpu.memory_space<vmem>> -> memref<128xi32, #tpu.memory_space<vmem>>
    %dma_start3A_31 = arith.constant 0 : i32
    %dma_start3A_32 = arith.constant 0 : i32
    %dma_start3A_33 = tpu.memref_slice %arg2[%dma_start3A_31, %dma_start3A_32] : memref<100000x128xf32, #tpu.memory_space<hbm>> -> memref<100000x128xf32, #tpu.memory_space<hbm>>
    tpu.enqueue_indirect_dma source(%dma_start3A_33 : memref<100000x128xf32, #tpu.memory_space<hbm>>) target(%dma_start3A_27 : memref<128x128xf32, #tpu.memory_space<vmem>>) offsets(%dma_start3A_30 : memref<128xi32, #tpu.memory_space<vmem>>) semaphore(%arg10 : memref<!tpu.dma_semaphore, #tpu.memory_space<semaphore_mem>>)
    %dma_start3A_34 = arith.constant 3 : i32
    %dma_start3A_35 = arith.constant 384 : i32
    %dma_start3A_36 = arith.constant 0 : i32
    %dma_start3A_37 = tpu.memref_slice %arg6[%dma_start3A_35, %dma_start3A_36] : memref<512x128xf32, #tpu.memory_space<vmem>> -> memref<128x128xf32, #tpu.memory_space<vmem>>
    %dma_start3A_38 = arith.constant 0 : i32
    %dma_start3A_39 = tpu.memref_slice %arg5[%dma_start3A_34, %dma_start3A_38] : memref<4x128xi32, #tpu.memory_space<vmem>> -> memref<1x128xi32, #tpu.memory_space<vmem>>
    %dma_start3A_40 = tpu.memref_squeeze %dma_start3A_39 : memref<1x128xi32, #tpu.memory_space<vmem>> -> memref<128xi32, #tpu.memory_space<vmem>>
    %dma_start3A_41 = arith.constant 0 : i32
    %dma_start3A_42 = arith.constant 0 : i32
    %dma_start3A_43 = tpu.memref_slice %arg2[%dma_start3A_41, %dma_start3A_42] : memref<100000x128xf32, #tpu.memory_space<hbm>> -> memref<100000x128xf32, #tpu.memory_space<hbm>>
    tpu.enqueue_indirect_dma source(%dma_start3A_43 : memref<100000x128xf32, #tpu.memory_space<hbm>>) target(%dma_start3A_37 : memref<128x128xf32, #tpu.memory_space<vmem>>) offsets(%dma_start3A_40 : memref<128xi32, #tpu.memory_space<vmem>>) semaphore(%arg11 : memref<!tpu.dma_semaphore, #tpu.memory_space<semaphore_mem>>)
    %dma_wait3A = arith.constant 0 : i32
    %dma_wait3A_44 = arith.constant 0 : i32
    %dma_wait3A_45 = arith.constant 0 : i32
    %dma_wait3A_46 = tpu.memref_slice %arg6[%dma_wait3A_44, %dma_wait3A_45] : memref<512x128xf32, #tpu.memory_space<vmem>> -> memref<128x128xf32, #tpu.memory_space<vmem>>
    %dma_wait3A_47 = arith.constant 0 : i32
    %dma_wait3A_48 = tpu.memref_slice %arg5[%dma_wait3A, %dma_wait3A_47] : memref<4x128xi32, #tpu.memory_space<vmem>> -> memref<1x128xi32, #tpu.memory_space<vmem>>
    %dma_wait3A_49 = tpu.memref_squeeze %dma_wait3A_48 : memref<1x128xi32, #tpu.memory_space<vmem>> -> memref<128xi32, #tpu.memory_space<vmem>>
    %dma_wait3A_50 = arith.constant 0 : i32
    %dma_wait3A_51 = arith.constant 0 : i32
    %dma_wait3A_52 = tpu.memref_slice %arg2[%dma_wait3A_50, %dma_wait3A_51] : memref<100000x128xf32, #tpu.memory_space<hbm>> -> memref<100000x128xf32, #tpu.memory_space<hbm>>
    tpu.wait_indirect_dma semaphore(%arg8 : memref<!tpu.dma_semaphore, #tpu.memory_space<semaphore_mem>>) src(%dma_wait3A_52 : memref<100000x128xf32, #tpu.memory_space<hbm>>) dst(%dma_wait3A_46 : memref<128x128xf32, #tpu.memory_space<vmem>>)
    %add3A_53 = arith.constant 0 : i32
    %add3A_54 = arith.addi %mul3A_2, %add3A_53 : i32
    %dma_start3A_55 = arith.constant 0 : i32
    %dma_start3A_56 = arith.constant 0 : i32
    %dma_start3A_57 = tpu.memref_slice %arg6[%dma_start3A_55, %dma_start3A_56] : memref<512x128xf32, #tpu.memory_space<vmem>> -> memref<128x128xf32, #tpu.memory_space<vmem>>
    %dma_start3A_58 = arith.constant 0 : i32
    %dma_start3A_59 = tpu.memref_slice %arg4[%add3A_54, %dma_start3A_58] : memref<8192x128xf32, #tpu.memory_space<hbm>> -> memref<128x128xf32, #tpu.memory_space<hbm>>
    %dma_start3A_60 = arith.constant 0 : i32
    %dma_start3A_61 = tpu.memref_slice %arg4[%add3A_54, %dma_start3A_60] : memref<8192x128xf32, #tpu.memory_space<hbm>> -> memref<128x128xf32, #tpu.memory_space<hbm>>
    %dma_start3A_62 = arith.constant 0 : i32
    %dma_start3A_63 = arith.constant 0 : i32
    %dma_start3A_64 = tpu.memref_slice %arg6[%dma_start3A_62, %dma_start3A_63] : memref<512x128xf32, #tpu.memory_space<vmem>> -> memref<128x128xf32, #tpu.memory_space<vmem>>
    tpu.enqueue_dma source(%dma_start3A_64 : memref<128x128xf32, #tpu.memory_space<vmem>>) target(%dma_start3A_61 : memref<128x128xf32, #tpu.memory_space<hbm>>) target_semaphore(%arg7 : memref<!tpu.dma_semaphore, #tpu.memory_space<semaphore_mem>>)
    %dma_wait3A_65 = arith.constant 1 : i32
    %dma_wait3A_66 = arith.constant 128 : i32
    %dma_wait3A_67 = arith.constant 0 : i32
    %dma_wait3A_68 = tpu.memref_slice %arg6[%dma_wait3A_66, %dma_wait3A_67] : memref<512x128xf32, #tpu.memory_space<vmem>> -> memref<128x128xf32, #tpu.memory_space<vmem>>
    %dma_wait3A_69 = arith.constant 0 : i32
    %dma_wait3A_70 = tpu.memref_slice %arg5[%dma_wait3A_65, %dma_wait3A_69] : memref<4x128xi32, #tpu.memory_space<vmem>> -> memref<1x128xi32, #tpu.memory_space<vmem>>
    %dma_wait3A_71 = tpu.memref_squeeze %dma_wait3A_70 : memref<1x128xi32, #tpu.memory_space<vmem>> -> memref<128xi32, #tpu.memory_space<vmem>>
    %dma_wait3A_72 = arith.constant 0 : i32
    %dma_wait3A_73 = arith.constant 0 : i32
    %dma_wait3A_74 = tpu.memref_slice %arg2[%dma_wait3A_72, %dma_wait3A_73] : memref<100000x128xf32, #tpu.memory_space<hbm>> -> memref<100000x128xf32, #tpu.memory_space<hbm>>
    tpu.wait_indirect_dma semaphore(%arg9 : memref<!tpu.dma_semaphore, #tpu.memory_space<semaphore_mem>>) src(%dma_wait3A_74 : memref<100000x128xf32, #tpu.memory_space<hbm>>) dst(%dma_wait3A_68 : memref<128x128xf32, #tpu.memory_space<vmem>>)
    %add3A_75 = arith.constant 128 : i32
    %add3A_76 = arith.addi %mul3A_2, %add3A_75 : i32
    %dma_start3A_77 = arith.constant 128 : i32
    %dma_start3A_78 = arith.constant 0 : i32
    %dma_start3A_79 = tpu.memref_slice %arg6[%dma_start3A_77, %dma_start3A_78] : memref<512x128xf32, #tpu.memory_space<vmem>> -> memref<128x128xf32, #tpu.memory_space<vmem>>
    %dma_start3A_80 = arith.constant 0 : i32
    %dma_start3A_81 = tpu.memref_slice %arg4[%add3A_76, %dma_start3A_80] : memref<8192x128xf32, #tpu.memory_space<hbm>> -> memref<128x128xf32, #tpu.memory_space<hbm>>
    %dma_start3A_82 = arith.constant 0 : i32
    %dma_start3A_83 = tpu.memref_slice %arg4[%add3A_76, %dma_start3A_82] : memref<8192x128xf32, #tpu.memory_space<hbm>> -> memref<128x128xf32, #tpu.memory_space<hbm>>
    %dma_start3A_84 = arith.constant 128 : i32
    %dma_start3A_85 = arith.constant 0 : i32
    %dma_start3A_86 = tpu.memref_slice %arg6[%dma_start3A_84, %dma_start3A_85] : memref<512x128xf32, #tpu.memory_space<vmem>> -> memref<128x128xf32, #tpu.memory_space<vmem>>
    tpu.enqueue_dma source(%dma_start3A_86 : memref<128x128xf32, #tpu.memory_space<vmem>>) target(%dma_start3A_83 : memref<128x128xf32, #tpu.memory_space<hbm>>) target_semaphore(%arg7 : memref<!tpu.dma_semaphore, #tpu.memory_space<semaphore_mem>>)
    %dma_wait3A_87 = arith.constant 2 : i32
    %dma_wait3A_88 = arith.constant 256 : i32
    %dma_wait3A_89 = arith.constant 0 : i32
    %dma_wait3A_90 = tpu.memref_slice %arg6[%dma_wait3A_88, %dma_wait3A_89] : memref<512x128xf32, #tpu.memory_space<vmem>> -> memref<128x128xf32, #tpu.memory_space<vmem>>
    %dma_wait3A_91 = arith.constant 0 : i32
    %dma_wait3A_92 = tpu.memref_slice %arg5[%dma_wait3A_87, %dma_wait3A_91] : memref<4x128xi32, #tpu.memory_space<vmem>> -> memref<1x128xi32, #tpu.memory_space<vmem>>
    %dma_wait3A_93 = tpu.memref_squeeze %dma_wait3A_92 : memref<1x128xi32, #tpu.memory_space<vmem>> -> memref<128xi32, #tpu.memory_space<vmem>>
    %dma_wait3A_94 = arith.constant 0 : i32
    %dma_wait3A_95 = arith.constant 0 : i32
    %dma_wait3A_96 = tpu.memref_slice %arg2[%dma_wait3A_94, %dma_wait3A_95] : memref<100000x128xf32, #tpu.memory_space<hbm>> -> memref<100000x128xf32, #tpu.memory_space<hbm>>
    tpu.wait_indirect_dma semaphore(%arg10 : memref<!tpu.dma_semaphore, #tpu.memory_space<semaphore_mem>>) src(%dma_wait3A_96 : memref<100000x128xf32, #tpu.memory_space<hbm>>) dst(%dma_wait3A_90 : memref<128x128xf32, #tpu.memory_space<vmem>>)
    %add3A_97 = arith.constant 256 : i32
    %add3A_98 = arith.addi %mul3A_2, %add3A_97 : i32
    %dma_start3A_99 = arith.constant 256 : i32
    %dma_start3A_100 = arith.constant 0 : i32
    %dma_start3A_101 = tpu.memref_slice %arg6[%dma_start3A_99, %dma_start3A_100] : memref<512x128xf32, #tpu.memory_space<vmem>> -> memref<128x128xf32, #tpu.memory_space<vmem>>
    %dma_start3A_102 = arith.constant 0 : i32
    %dma_start3A_103 = tpu.memref_slice %arg4[%add3A_98, %dma_start3A_102] : memref<8192x128xf32, #tpu.memory_space<hbm>> -> memref<128x128xf32, #tpu.memory_space<hbm>>
    %dma_start3A_104 = arith.constant 0 : i32
    %dma_start3A_105 = tpu.memref_slice %arg4[%add3A_98, %dma_start3A_104] : memref<8192x128xf32, #tpu.memory_space<hbm>> -> memref<128x128xf32, #tpu.memory_space<hbm>>
    %dma_start3A_106 = arith.constant 256 : i32
    %dma_start3A_107 = arith.constant 0 : i32
    %dma_start3A_108 = tpu.memref_slice %arg6[%dma_start3A_106, %dma_start3A_107] : memref<512x128xf32, #tpu.memory_space<vmem>> -> memref<128x128xf32, #tpu.memory_space<vmem>>
    tpu.enqueue_dma source(%dma_start3A_108 : memref<128x128xf32, #tpu.memory_space<vmem>>) target(%dma_start3A_105 : memref<128x128xf32, #tpu.memory_space<hbm>>) target_semaphore(%arg7 : memref<!tpu.dma_semaphore, #tpu.memory_space<semaphore_mem>>)
    %dma_wait3A_109 = arith.constant 3 : i32
    %dma_wait3A_110 = arith.constant 384 : i32
    %dma_wait3A_111 = arith.constant 0 : i32
    %dma_wait3A_112 = tpu.memref_slice %arg6[%dma_wait3A_110, %dma_wait3A_111] : memref<512x128xf32, #tpu.memory_space<vmem>> -> memref<128x128xf32, #tpu.memory_space<vmem>>
    %dma_wait3A_113 = arith.constant 0 : i32
    %dma_wait3A_114 = tpu.memref_slice %arg5[%dma_wait3A_109, %dma_wait3A_113] : memref<4x128xi32, #tpu.memory_space<vmem>> -> memref<1x128xi32, #tpu.memory_space<vmem>>
    %dma_wait3A_115 = tpu.memref_squeeze %dma_wait3A_114 : memref<1x128xi32, #tpu.memory_space<vmem>> -> memref<128xi32, #tpu.memory_space<vmem>>
    %dma_wait3A_116 = arith.constant 0 : i32
    %dma_wait3A_117 = arith.constant 0 : i32
    %dma_wait3A_118 = tpu.memref_slice %arg2[%dma_wait3A_116, %dma_wait3A_117] : memref<100000x128xf32, #tpu.memory_space<hbm>> -> memref<100000x128xf32, #tpu.memory_space<hbm>>
    tpu.wait_indirect_dma semaphore(%arg11 : memref<!tpu.dma_semaphore, #tpu.memory_space<semaphore_mem>>) src(%dma_wait3A_118 : memref<100000x128xf32, #tpu.memory_space<hbm>>) dst(%dma_wait3A_112 : memref<128x128xf32, #tpu.memory_space<vmem>>)
    %add3A_119 = arith.constant 384 : i32
    %add3A_120 = arith.addi %mul3A_2, %add3A_119 : i32
    %dma_start3A_121 = arith.constant 384 : i32
    %dma_start3A_122 = arith.constant 0 : i32
    %dma_start3A_123 = tpu.memref_slice %arg6[%dma_start3A_121, %dma_start3A_122] : memref<512x128xf32, #tpu.memory_space<vmem>> -> memref<128x128xf32, #tpu.memory_space<vmem>>
    %dma_start3A_124 = arith.constant 0 : i32
    %dma_start3A_125 = tpu.memref_slice %arg4[%add3A_120, %dma_start3A_124] : memref<8192x128xf32, #tpu.memory_space<hbm>> -> memref<128x128xf32, #tpu.memory_space<hbm>>
    %dma_start3A_126 = arith.constant 0 : i32
    %dma_start3A_127 = tpu.memref_slice %arg4[%add3A_120, %dma_start3A_126] : memref<8192x128xf32, #tpu.memory_space<hbm>> -> memref<128x128xf32, #tpu.memory_space<hbm>>
    %dma_start3A_128 = arith.constant 384 : i32
    %dma_start3A_129 = arith.constant 0 : i32
    %dma_start3A_130 = tpu.memref_slice %arg6[%dma_start3A_128, %dma_start3A_129] : memref<512x128xf32, #tpu.memory_space<vmem>> -> memref<128x128xf32, #tpu.memory_space<vmem>>
    tpu.enqueue_dma source(%dma_start3A_130 : memref<128x128xf32, #tpu.memory_space<vmem>>) target(%dma_start3A_127 : memref<128x128xf32, #tpu.memory_space<hbm>>) target_semaphore(%arg7 : memref<!tpu.dma_semaphore, #tpu.memory_space<semaphore_mem>>)
    %dma_wait3A_131 = arith.constant 0 : i32
    %dma_wait3A_132 = arith.constant 0 : i32
    %dma_wait3A_133 = tpu.memref_slice %arg6[%dma_wait3A_131, %dma_wait3A_132] : memref<512x128xf32, #tpu.memory_space<vmem>> -> memref<128x128xf32, #tpu.memory_space<vmem>>
    %dma_wait3A_134 = arith.constant 0 : i32
    %dma_wait3A_135 = tpu.memref_slice %arg4[%add3A_54, %dma_wait3A_134] : memref<8192x128xf32, #tpu.memory_space<hbm>> -> memref<128x128xf32, #tpu.memory_space<hbm>>
    %dma_wait3A_136 = arith.constant 0 : i32
    %dma_wait3A_137 = tpu.memref_slice %arg4[%add3A_54, %dma_wait3A_136] : memref<8192x128xf32, #tpu.memory_space<hbm>> -> memref<128x128xf32, #tpu.memory_space<hbm>>
    %dma_wait3A_138 = arith.constant 0 : i32
    %dma_wait3A_139 = arith.constant 0 : i32
    %dma_wait3A_140 = tpu.memref_slice %arg6[%dma_wait3A_138, %dma_wait3A_139] : memref<512x128xf32, #tpu.memory_space<vmem>> -> memref<128x128xf32, #tpu.memory_space<vmem>>
    tpu.wait_dma2 semaphore(%arg7 : memref<!tpu.dma_semaphore, #tpu.memory_space<semaphore_mem>>) src(%dma_wait3A_140 : memref<128x128xf32, #tpu.memory_space<vmem>>) dst(%dma_wait3A_137 : memref<128x128xf32, #tpu.memory_space<hbm>>)
    %dma_wait3A_141 = arith.constant 128 : i32
    %dma_wait3A_142 = arith.constant 0 : i32
    %dma_wait3A_143 = tpu.memref_slice %arg6[%dma_wait3A_141, %dma_wait3A_142] : memref<512x128xf32, #tpu.memory_space<vmem>> -> memref<128x128xf32, #tpu.memory_space<vmem>>
    %dma_wait3A_144 = arith.constant 0 : i32
    %dma_wait3A_145 = tpu.memref_slice %arg4[%add3A_76, %dma_wait3A_144] : memref<8192x128xf32, #tpu.memory_space<hbm>> -> memref<128x128xf32, #tpu.memory_space<hbm>>
    %dma_wait3A_146 = arith.constant 0 : i32
    %dma_wait3A_147 = tpu.memref_slice %arg4[%add3A_76, %dma_wait3A_146] : memref<8192x128xf32, #tpu.memory_space<hbm>> -> memref<128x128xf32, #tpu.memory_space<hbm>>
    %dma_wait3A_148 = arith.constant 128 : i32
    %dma_wait3A_149 = arith.constant 0 : i32
    %dma_wait3A_150 = tpu.memref_slice %arg6[%dma_wait3A_148, %dma_wait3A_149] : memref<512x128xf32, #tpu.memory_space<vmem>> -> memref<128x128xf32, #tpu.memory_space<vmem>>
    tpu.wait_dma2 semaphore(%arg7 : memref<!tpu.dma_semaphore, #tpu.memory_space<semaphore_mem>>) src(%dma_wait3A_150 : memref<128x128xf32, #tpu.memory_space<vmem>>) dst(%dma_wait3A_147 : memref<128x128xf32, #tpu.memory_space<hbm>>)
    %dma_wait3A_151 = arith.constant 256 : i32
    %dma_wait3A_152 = arith.constant 0 : i32
    %dma_wait3A_153 = tpu.memref_slice %arg6[%dma_wait3A_151, %dma_wait3A_152] : memref<512x128xf32, #tpu.memory_space<vmem>> -> memref<128x128xf32, #tpu.memory_space<vmem>>
    %dma_wait3A_154 = arith.constant 0 : i32
    %dma_wait3A_155 = tpu.memref_slice %arg4[%add3A_98, %dma_wait3A_154] : memref<8192x128xf32, #tpu.memory_space<hbm>> -> memref<128x128xf32, #tpu.memory_space<hbm>>
    %dma_wait3A_156 = arith.constant 0 : i32
    %dma_wait3A_157 = tpu.memref_slice %arg4[%add3A_98, %dma_wait3A_156] : memref<8192x128xf32, #tpu.memory_space<hbm>> -> memref<128x128xf32, #tpu.memory_space<hbm>>
    %dma_wait3A_158 = arith.constant 256 : i32
    %dma_wait3A_159 = arith.constant 0 : i32
    %dma_wait3A_160 = tpu.memref_slice %arg6[%dma_wait3A_158, %dma_wait3A_159] : memref<512x128xf32, #tpu.memory_space<vmem>> -> memref<128x128xf32, #tpu.memory_space<vmem>>
    tpu.wait_dma2 semaphore(%arg7 : memref<!tpu.dma_semaphore, #tpu.memory_space<semaphore_mem>>) src(%dma_wait3A_160 : memref<128x128xf32, #tpu.memory_space<vmem>>) dst(%dma_wait3A_157 : memref<128x128xf32, #tpu.memory_space<hbm>>)
    %dma_wait3A_161 = arith.constant 384 : i32
    %dma_wait3A_162 = arith.constant 0 : i32
    %dma_wait3A_163 = tpu.memref_slice %arg6[%dma_wait3A_161, %dma_wait3A_162] : memref<512x128xf32, #tpu.memory_space<vmem>> -> memref<128x128xf32, #tpu.memory_space<vmem>>
    %dma_wait3A_164 = arith.constant 0 : i32
    %dma_wait3A_165 = tpu.memref_slice %arg4[%add3A_120, %dma_wait3A_164] : memref<8192x128xf32, #tpu.memory_space<hbm>> -> memref<128x128xf32, #tpu.memory_space<hbm>>
    %dma_wait3A_166 = arith.constant 0 : i32
    %dma_wait3A_167 = tpu.memref_slice %arg4[%add3A_120, %dma_wait3A_166] : memref<8192x128xf32, #tpu.memory_space<hbm>> -> memref<128x128xf32, #tpu.memory_space<hbm>>
    %dma_wait3A_168 = arith.constant 384 : i32
    %dma_wait3A_169 = arith.constant 0 : i32
    %dma_wait3A_170 = tpu.memref_slice %arg6[%dma_wait3A_168, %dma_wait3A_169] : memref<512x128xf32, #tpu.memory_space<vmem>> -> memref<128x128xf32, #tpu.memory_space<vmem>>
    tpu.wait_dma2 semaphore(%arg7 : memref<!tpu.dma_semaphore, #tpu.memory_space<semaphore_mem>>) src(%dma_wait3A_170 : memref<128x128xf32, #tpu.memory_space<vmem>>) dst(%dma_wait3A_167 : memref<128x128xf32, #tpu.memory_space<hbm>>)
    return
  }
}

module attributes {stable_mosaic.version = 14 : i64} {
  func.func @_loss_body(%arg0: i32, %arg1: memref<2048x128xf32, #tpu.memory_space<vmem>>, %arg2: memref<2048x128xf32, #tpu.memory_space<vmem>>, %arg3: memref<2048x1xf32, #tpu.memory_space<vmem>>, %arg4: memref<4096x1xf32, #tpu.memory_space<vmem>>, %arg5: memref<1x1xf32, #tpu.memory_space<smem>>) attributes {dimension_semantics = [#tpu.dimension_semantics<arbitrary>], iteration_bounds = array<i64: 2>, scalar_prefetch = 0 : i64, scratch_operands = 0 : i64, tpu.core_type = #tpu.core_type<tc>, window_params = [{transform_indices = @transform_0, window_bounds = array<i64: 2048, 128>}, {transform_indices = @transform_1, window_bounds = array<i64: 2048, 128>}, {transform_indices = @transform_2, window_bounds = array<i64: 2048, 1>}, {pipeline_mode = #tpu.pipeline_mode<synchronous>, transform_indices = @transform_3, window_bounds = array<i64: 4096, 1>}, {transform_indices = @transform_4, window_bounds = array<i64: 1, 1>}]} {
    %get3A = arith.constant 0 : index
    %get3A_0 = arith.constant 0 : index
    %get3A_1 = vector.load %arg1[%get3A, %get3A_0] : memref<2048x128xf32, #tpu.memory_space<vmem>>, vector<2048x128xf32>
    %get3A_2 = arith.constant 0 : index
    %get3A_3 = arith.constant 0 : index
    %get3A_4 = vector.load %arg2[%get3A_2, %get3A_3] : memref<2048x128xf32, #tpu.memory_space<vmem>>, vector<2048x128xf32>
    %reduce_max3A = arith.constant dense<0xFF800000> : vector<2048xf32>
    %reduce_max3A_5 = vector.multi_reduction <maximumf>, %get3A_1, %reduce_max3A [1] : vector<2048x128xf32> to vector<2048xf32>
    %broadcast_in_dim3A = vector.shape_cast %reduce_max3A_5 : vector<2048xf32> to vector<2048x1xf32>
    %sub3A = vector.broadcast %broadcast_in_dim3A : vector<2048x1xf32> to vector<2048x128xf32>
    %sub3A_6 = arith.subf %get3A_1, %sub3A : vector<2048x128xf32>
    %exp3A = math.exp %sub3A_6 : vector<2048x128xf32>
    %reduce_max3A_7 = arith.constant dense<0xFF800000> : vector<2048xf32>
    %reduce_max3A_8 = vector.multi_reduction <maximumf>, %get3A_4, %reduce_max3A_7 [1] : vector<2048x128xf32> to vector<2048xf32>
    %broadcast_in_dim3A_9 = vector.shape_cast %reduce_max3A_8 : vector<2048xf32> to vector<2048x1xf32>
    %sub3A_10 = vector.broadcast %broadcast_in_dim3A_9 : vector<2048x1xf32> to vector<2048x128xf32>
    %sub3A_11 = arith.subf %get3A_4, %sub3A_10 : vector<2048x128xf32>
    %exp3A_12 = math.exp %sub3A_11 : vector<2048x128xf32>
    %mul3A = arith.mulf %exp3A, %exp3A_12 : vector<2048x128xf32>
    %reduce_sum3A = arith.constant dense<0.000000e+00> : vector<2048xf32>
    %reduce_sum3A_13 = vector.multi_reduction <add>, %mul3A, %reduce_sum3A [1] : vector<2048x128xf32> to vector<2048xf32>
    %broadcast_in_dim3A_14 = vector.shape_cast %reduce_sum3A_13 : vector<2048xf32> to vector<2048x1xf32>
    %mul3A_15 = arith.mulf %exp3A, %exp3A : vector<2048x128xf32>
    %reduce_sum3A_16 = arith.constant dense<0.000000e+00> : vector<2048xf32>
    %reduce_sum3A_17 = vector.multi_reduction <add>, %mul3A_15, %reduce_sum3A_16 [1] : vector<2048x128xf32> to vector<2048xf32>
    %broadcast_in_dim3A_18 = vector.shape_cast %reduce_sum3A_17 : vector<2048xf32> to vector<2048x1xf32>
    %mul3A_19 = arith.mulf %exp3A_12, %exp3A_12 : vector<2048x128xf32>
    %reduce_sum3A_20 = arith.constant dense<0.000000e+00> : vector<2048xf32>
    %reduce_sum3A_21 = vector.multi_reduction <add>, %mul3A_19, %reduce_sum3A_20 [1] : vector<2048x128xf32> to vector<2048xf32>
    %broadcast_in_dim3A_22 = vector.shape_cast %reduce_sum3A_21 : vector<2048xf32> to vector<2048x1xf32>
    %mul3A_23 = arith.mulf %broadcast_in_dim3A_18, %broadcast_in_dim3A_22 : vector<2048x1xf32>
    %rsqrt3A = math.rsqrt %mul3A_23 : vector<2048x1xf32>
    %mul3A_24 = arith.mulf %broadcast_in_dim3A_14, %rsqrt3A : vector<2048x1xf32>
    %add3A = arith.constant 1.000000e+00 : f32
    %add3A_25 = vector.broadcast %add3A : f32 to vector<2048x1xf32>
    %add3A_26 = arith.addf %mul3A_24, %add3A_25 : vector<2048x1xf32>
    %mul3A_27 = arith.constant 5.000000e-01 : f32
    %mul3A_28 = vector.broadcast %mul3A_27 : f32 to vector<2048x1xf32>
    %mul3A_29 = arith.mulf %add3A_26, %mul3A_28 : vector<2048x1xf32>
    %get3A_30 = arith.constant 0 : index
    %get3A_31 = arith.constant 0 : index
    %get3A_32 = vector.load %arg4[%get3A_30, %get3A_31] : memref<4096x1xf32, #tpu.memory_space<vmem>>, vector<4096x1xf32>
    %reduce_min3A = vector.shape_cast %get3A_32 : vector<4096x1xf32> to vector<1x4096x1xf32>
    %reduce_min3A_33 = arith.constant dense<0x7F800000> : vector<1xf32>
    %reduce_min3A_34 = vector.multi_reduction <minimumf>, %reduce_min3A, %reduce_min3A_33 [1, 2] : vector<1x4096x1xf32> to vector<1xf32>
    %reduce_min3A_35 = vector.shape_cast %reduce_min3A_34 : vector<1xf32> to vector<1x1x1xf32>
    %reduce_min3A_36 = vector.extract %reduce_min3A_35[0, 0, 0] : f32 from vector<1x1x1xf32>
    %reduce_max3A_37 = vector.shape_cast %get3A_32 : vector<4096x1xf32> to vector<1x4096x1xf32>
    %reduce_max3A_38 = arith.constant dense<0xFF800000> : vector<1xf32>
    %reduce_max3A_39 = vector.multi_reduction <maximumf>, %reduce_max3A_37, %reduce_max3A_38 [1, 2] : vector<1x4096x1xf32> to vector<1xf32>
    %reduce_max3A_40 = vector.shape_cast %reduce_max3A_39 : vector<1xf32> to vector<1x1x1xf32>
    %reduce_max3A_41 = vector.extract %reduce_max3A_40[0, 0, 0] : f32 from vector<1x1x1xf32>
    %get3A_42 = arith.constant 0 : index
    %get3A_43 = arith.constant 0 : index
    %get3A_44 = vector.load %arg3[%get3A_42, %get3A_43] : memref<2048x1xf32, #tpu.memory_space<vmem>>, vector<2048x1xf32>
    %sub3A_45 = vector.broadcast %reduce_min3A_36 : f32 to vector<2048x1xf32>
    %sub3A_46 = arith.subf %get3A_44, %sub3A_45 : vector<2048x1xf32>
    %sub3A_47 = arith.subf %reduce_max3A_41, %reduce_min3A_36 : f32
    %add3A_48 = arith.constant 9.99999993E-9 : f32
    %add3A_49 = arith.addf %sub3A_47, %add3A_48 : f32
    %div3A = vector.broadcast %add3A_49 : f32 to vector<2048x1xf32>
    %div3A_50 = arith.divf %sub3A_46, %div3A : vector<2048x1xf32>
    %sub3A_51 = arith.subf %mul3A_29, %div3A_50 : vector<2048x1xf32>
    %mul3A_52 = arith.mulf %sub3A_51, %sub3A_51 : vector<2048x1xf32>
    %reduce_sum3A_53 = vector.shape_cast %mul3A_52 : vector<2048x1xf32> to vector<1x2048x1xf32>
    %reduce_sum3A_54 = arith.constant dense<0.000000e+00> : vector<1xf32>
    %reduce_sum3A_55 = vector.multi_reduction <add>, %reduce_sum3A_53, %reduce_sum3A_54 [1, 2] : vector<1x2048x1xf32> to vector<1xf32>
    %reduce_sum3A_56 = vector.shape_cast %reduce_sum3A_55 : vector<1xf32> to vector<1x1x1xf32>
    %reduce_sum3A_57 = vector.extract %reduce_sum3A_56[0, 0, 0] : f32 from vector<1x1x1xf32>
    %mul3A_58 = arith.constant 2.44140625E-4 : f32
    %mul3A_59 = arith.mulf %reduce_sum3A_57, %mul3A_58 : f32
    %eq3A = arith.constant 0 : i32
    %eq3A_60 = arith.cmpi eq, %arg0, %eq3A : i32
    %convert_element_type3A = arith.extui %eq3A_60 : i1 to i32
    %cond3A = arith.constant 0 : i32
    %cond3A_61 = arith.cmpi ne, %convert_element_type3A, %cond3A : i32
    scf.if %cond3A_61 {
      %swap3A_68 = arith.constant 0.000000e+00 : f32
      %swap3A_69 = arith.constant 0 : index
      %swap3A_70 = arith.constant 0 : index
      %swap3A_71 = memref.load %arg5[%swap3A_69, %swap3A_70] : memref<1x1xf32, #tpu.memory_space<smem>>
      memref.store %swap3A_68, %arg5[%swap3A_69, %swap3A_70] : memref<1x1xf32, #tpu.memory_space<smem>>
    } else {
    }
    %get3A_62 = arith.constant 0 : index
    %get3A_63 = arith.constant 0 : index
    %get3A_64 = memref.load %arg5[%get3A_62, %get3A_63] : memref<1x1xf32, #tpu.memory_space<smem>>
    %add3A_65 = arith.addf %get3A_64, %mul3A_59 : f32
    %swap3A = arith.constant 0 : index
    %swap3A_66 = arith.constant 0 : index
    %swap3A_67 = memref.load %arg5[%swap3A, %swap3A_66] : memref<1x1xf32, #tpu.memory_space<smem>>
    memref.store %add3A_65, %arg5[%swap3A, %swap3A_66] : memref<1x1xf32, #tpu.memory_space<smem>>
    return
  }
  func.func @transform_0(%arg0: i32) -> (i32, i32) {
    %c0_i32 = arith.constant 0 : i32
    %c0_i32_0 = arith.constant 0 : i32
    return %arg0, %c0_i32 : i32, i32
  }
  func.func @transform_1(%arg0: i32) -> (i32, i32) {
    %add3A = arith.constant 2 : i32
    %add3A_0 = arith.addi %arg0, %add3A : i32
    %c0_i32 = arith.constant 0 : i32
    %c0_i32_1 = arith.constant 0 : i32
    return %add3A_0, %c0_i32 : i32, i32
  }
  func.func @transform_2(%arg0: i32) -> (i32, i32) {
    %c0_i32 = arith.constant 0 : i32
    %c0_i32_0 = arith.constant 0 : i32
    return %arg0, %c0_i32 : i32, i32
  }
  func.func @transform_3(%arg0: i32) -> (i32, i32) {
    %c0_i32 = arith.constant 0 : i32
    %c0_i32_0 = arith.constant 0 : i32
    %c0_i32_1 = arith.constant 0 : i32
    return %c0_i32, %c0_i32_0 : i32, i32
  }
  func.func @transform_4(%arg0: i32) -> (i32, i32) {
    %c0_i32 = arith.constant 0 : i32
    %c0_i32_0 = arith.constant 0 : i32
    %c0_i32_1 = arith.constant 0 : i32
    return %c0_i32, %c0_i32_0 : i32, i32
  }
}

</mosaic_0001>

<sc_bundles>
// kernel: kernel.4.cloned.1.call-start
scs
__scs_entry_jumppad:
0x0: {  	(pc) =	sbr.rel $0x88, $3  }
0x1: {  	(tag) =	ssettag $0x0;
	lr =	simm.s32 $0x1  }
0x2: {  	[smem:$0x3F9E] =	sst lr;
	_ =	strace $0xD0000000  }
0x3: {  	_ = 	snop  }
0x4: {  	_ = 	snop  }
0x5: {  	_ = 	snop  }
0x6: {  	_ = 	snop  }
0x7: {  	_ = 	snop  }
__scs_overlays_trampoline_lowered:
0x8: {  	[smem:$0x3FAD] =	sst s0  }
0x9: {  	[smem:$0x3FAE] =	sst s1  }
0xa: {  	[smem:$0x3FAF] =	sst s2  }
0xb: {  	[smem:$0x3FB0] =	sst s3  }
0xc: {  	[smem:$0x3FB1] =	sst s4  }
0xd: {  	[smem:$0x3FB2] =	sst s5  }
0xe: {  	[smem:$0x3FB3] =	sst s6  }
0xf: {  	[smem:$0x3FB4] =	sst s7  }
0x10: {  	[smem:$0x3FB5] =	sst s8  }
0x11: {  	[smem:$0x3FB6] =	sst s9;
	s0 =	simm.s32 @!p0 $0x0  }
0x12: {  	s1 =	sld [smem:$0x3F9C];
	s0 =	simm.s32 @p0 $0x1  }
0x13: {  	[smem:$0x3FB7] =	sst s0;
	s0 =	simm.s32 @!p1 $0x0  }
0x14: {  	s2 =	sld [smem:$0x3F9B];
	s0 =	simm.s32 @p1 $0x1  }
0x15: {  	[smem:$0x3FB8] =	sst s0;
	s0 =	simm.s32 @!p2 $0x0  }
0x16: {  	s3 =	sld [smem:$0x3FDB];
	s0 =	simm.s32 @p2 $0x1  }
0x17: {  	s4 =	simm.s32 $0x1BF5;
	[smem:$0x3FBA] =	sst s0  }
0x18: {  	s0 =	sld [smem:$0x3F9D];
	_ =	swait.ge [sflag:s4], $0x0  }
0x19: {  	s7 =	sld [smem:$0x3F9E]  }
0x1a: {  	s8 =	sadd.s32 $0xFFFFE003, lr  }
0x1b: {  	s9 =	sadd.s32 $0xFFFFFEF7, lr;
	s5 =	simm.s32 $0xFFFFFFFF;
	p2 =	slt.u32 s8, $0xFFFFF086  }
0x1c: {  	p1 =	slt.u32 s9, $0xF7A;
	s5 =	simm.s32 @!p2 $0x0  }
0x1d: {  	s5 =	simm.s32 @p1 $0x1;
	p0 =	seq.s32 s7, s2  }
0x1e: {  	s7 =	smul.u32 @!p0 $0xF7A, s2;
	p2 =	seq.s32 @!p0 s5, $0x0  }
0x1f: {  	s9 =	smul.u32 $0xF7A, s1;
	s8 =	simm.s32 @!p0 $0x1BF5;
	p2 =	por !p2, p0  }
0x20: {  	[sflag:s8] =	ssyncset.s32 @!p0 $0xFFFFF086;
	s6 =	sadd.s32 @!p0 s3, s7;
	s7 =	simm.s32 @!p0 $0x108  }
0x21: {  	s3 =	sadd.s32 s3, s9;
	s6 =	sadd.s32 @!p0 $0x88, s6;
	s7 =	simm.s32 @p2 $0x1082  }
0x22: {  	[simem:s7], [sflag:s8] =	dma.local @!p0 [hbm:s6], $0xF7A  }
0x23: {  	s9 =	sor.u32 $0xD0000000, s2;
	s6 =	simm.s32 $0x108;
	_ =	swait.ge @!p0 [sflag:s8], $0x0  }
0x24: {  	s3 =	sadd.s32 $0x88, s3;
	s6 =	simm.s32 @!p1 $0x1082;
	[sflag:s4] =	ssyncset.s32 $0xFFFFF086  }
0x25: {  	[simem:s6], [sflag:s4] =	dma.local [hbm:s3], $0xF7A  }
0x26: {  	[smem:$0x3F9E] =	sst s1;
	(tag) =	ssettag s2;
	_ =	strace s9  }
0x27: {  	s1 =	sld [smem:$0x3FAE]  }
0x28: {  	s2 =	sld [smem:$0x3FAF]  }
0x29: {  	s4 =	sld [smem:$0x3FB1]  }
0x2a: {  	p0 =	seq.s32 s5, $0x0;
	s5 =	sld [smem:$0x3FB2]  }
0x2b: {  	s6 =	sld [smem:$0x3FB3]  }
0x2c: {  	s7 =	sld [smem:$0x3FB4]  }
0x2d: {  	s3 =	simm.s32 $0x108;
	s8 =	sld [smem:$0x3FB5]  }
0x2e: {  	s3 =	simm.s32 @!p0 $0x1082;
	s9 =	sld [smem:$0x3FB6]  }
0x2f: {  	lr =	sadd.s32 s0, s3;
	s0 =	sld [smem:$0x3FAD]  }
0x30: {  	s3 =	sld [smem:$0x3FB0]  }
0x31: {  	[smem:$0x3FB9] =	sst s10  }
0x32: {  	s10 =	sld [smem:$0x3FB7];
	_ =	sdelay $0x3  }
0x33: {  	p0 =	seq.s32 s10, $0x1;
	s10 =	sld [smem:$0x3FB9];
	_ =	sdelay $0x3  }
0x34: {  	[smem:$0x3FB9] =	sst s10  }
0x35: {  	s10 =	sld [smem:$0x3FB8];
	_ =	sdelay $0x3  }
0x36: {  	p1 =	seq.s32 s10, $0x1;
	s10 =	sld [smem:$0x3FB9];
	_ =	sdelay $0x3  }
0x37: {  	[smem:$0x3FB9] =	sst s10  }
0x38: {  	s10 =	sld [smem:$0x3FBA]  }
0x39: {  	_ = 	snop;
	(pc) =	sbr.ind lr, $3  }
0x3a: {  	_ = 	snop  }
0x3b: {  	_ = 	snop  }
0x3c: {  	p2 =	seq.s32 s10, $0x1;
	s10 =	sld [smem:$0x3FB9]  }
0x3d: {  	_ =	shalt  }
0x3e: {  	_ =	shalt  }
0x3f: {  	_ =	shalt  }
0x40: {  	_ =	shalt  }
0x41: {  	_ =	shalt  }
0x42: {  	_ =	shalt  }
0x43: {  	_ =	shalt  }
0x44: {  	_ =	shalt  }
0x45: {  	_ =	shalt  }
0x46: {  	_ =	shalt  }
0x47: {  	_ =	shalt  }
0x48: {  	_ =	shalt  }
0x49: {  	_ =	shalt  }
0x4a: {  	_ =	shalt  }
0x4b: {  	_ =	shalt  }
0x4c: {  	_ =	shalt  }
0x4d: {  	_ =	shalt  }
0x4e: {  	_ =	shalt  }
0x4f: {  	_ =	shalt  }
0x50: {  	_ =	shalt  }
0x51: {  	_ =	shalt  }
0x52: {  	_ =	shalt  }
0x53: {  	_ =	shalt  }
0x54: {  	_ =	shalt  }
0x55: {  	_ =	shalt  }
0x56: {  	_ =	shalt  }
0x57: {  	_ =	shalt  }
0x58: {  	_ =	shalt  }
0x59: {  	_ =	shalt  }
0x5a: {  	_ =	shalt  }
0x5b: {  	_ =	shalt  }
0x5c: {  	_ =	shalt  }
0x5d: {  	_ =	shalt  }
0x5e: {  	_ =	shalt  }
0x5f: {  	_ =	shalt  }
0x60: {  	_ =	shalt  }
0x61: {  	_ =	shalt  }
0x62: {  	_ =	shalt  }
0x63: {  	_ =	shalt  }
0x64: {  	_ =	shalt  }
0x65: {  	_ =	shalt  }
0x66: {  	_ =	shalt  }
0x67: {  	_ =	shalt  }
0x68: {  	_ =	shalt  }
0x69: {  	_ =	shalt  }
0x6a: {  	_ =	shalt  }
0x6b: {  	_ =	shalt  }
0x6c: {  	_ =	shalt  }
0x6d: {  	_ =	shalt  }
0x6e: {  	_ =	shalt  }
0x6f: {  	_ =	shalt  }
0x70: {  	_ =	shalt  }
0x71: {  	_ =	shalt  }
0x72: {  	_ =	shalt  }
0x73: {  	_ =	shalt  }
0x74: {  	_ =	shalt  }
0x75: {  	_ =	shalt  }
0x76: {  	_ =	shalt  }
0x77: {  	_ =	shalt  }
0x78: {  	_ =	shalt  }
0x79: {  	_ =	shalt  }
0x7a: {  	_ =	shalt  }
0x7b: {  	_ =	shalt  }
0x7c: {  	_ =	shalt  }
0x7d: {  	_ =	shalt  }
0x7e: {  	_ =	shalt  }
0x7f: {  	_ =	shalt  }
0x80: {  	_ =	shalt  }
0x81: {  	_ =	shalt  }
0x82: {  	_ =	shalt  }
0x83: {  	_ =	shalt  }
0x84: {  	_ =	shalt  }
0x85: {  	_ =	shalt  }
0x86: {  	_ =	shalt  }
0x87: {  	_ =	shalt  }
.Lfunc_end0:
.L_simem_size_0:
called_computation_lowered:
.L_overlay_start_0:
0x88: {  	s0 =	sld [smem:$0x3FD9]  }
0x89: {  	s1 =	sld [smem:$0x3FFE];
	_ =	sdelay $0x3  }
0x8a: {  	s0 =	sadd.s32 s1, s0  }
0x8b: {  	[smem:$0x3FC5] =	sst s0  }
0x8c: {  	_ = 	snop  }
0x8d: {  	s0 =	sld [smem:$0x3FC9];
	(tm) =	ssettm $0x1  }
0x8e: {  	s16 =	sld [smem:$0x3FFB];
	_ =	sdelay $0x3  }
0x8f: {  	_ =	strace s16  }
0x90: {  	s1 =	sld [smem:$0x3FFC];
	_ =	sdelay $0x3  }
0x91: {  	_ =	strace s1  }
0x92: {  	s1 =	sld [smem:$0x3FFD];
	_ =	sdelay $0x3  }
0x93: {  	_ =	strace s1  }
0x94: {  	_ =	strace $0x8FFFFFFF  }
0x95: {  	s17 =	sld [smem:$0x3FDB];
	_ =	sdelay $0x1  }
0x96: {  	s2 =	simm.s32 $_scs_section_size  }
0x97: {  	s3 =	simm.s32 $_size__tile_overlayer_lowered;
	s4 =	simm.s32 $_tile_overlayer_lowered  }
0x98: {  	s20 =	simm.s32 $0x1BFF;
	s19 =	sshll.u32 s4, $0x1;
	s1 =	sadd.s32 s2, s17  }
0x99: {  	s5 =	simm.s32 $0x0;
	s18 =	sshll.u32 s3, $0x1;
	s3 =	sadd.s32 s19, s1  }
0x9a: {  	[timem:s5], [sflag:s20] =	dma.local [hbm:s3], s18  }
0x9b: {  	_ =	swait.ge [sflag:s20], s18  }
0x9c: {  	s2 =	ssub.s32 $0x0, s18;
	[sflag:s20] =	ssyncset.done $0x0  }
0x9d: {  	[sflag:s20] =	ssyncadd.s32 s2;
	_ =	sdelay $0x1  }
0x9e: {  	s21 =	simm.s32 $0x1B8B  }
0x9f: {  	_ =	swait.ge [sflag:s21], $0x1  }
0xa0: {  	[sflag:s21] =	ssyncset.done $0x0  }
0xa1: {  	s23 =	simm.s32 $0x1B8E;
	s22 =	sld [smem:$0x3FFE];
	[sflag:s21] =	ssyncadd.s32 $0xFFFFFFFF  }
0xa2: {  	s24 =	simm.s32 $execute0_lowered;
	[smem:$0x3FD2] =	sst s23  }
0xa3: {  	s3 =	sshll.u32 s24, $0x1;
	_ =	strace $0x80000046;
	[dreg:$0x1] =	wrdreg $0xFFFFFFFF  }
0xa4: {  	s25 =	simm.s32 $_size_execute0_lowered;
	s1 =	sadd.s32 s1, s3;
	[dreg:$0x0] =	wrdreg $0x0  }
0xa5: {  	s3 =	sshll.u32 s25, $0x1;
	[dreg:$0x2] =	wrdreg s1  }
0xa6: {  	[dreg:$0x3] =	wrdreg s3  }
0xa7: {  	[dreg:$0x4] =	wrdreg $0xC0  }
0xa8: {  	_ =	task [dreg:s5], $0x5FFFF  }
0xa9: {  	[dreg:$0x1] =	wrdreg $0xFFFFFFFF  }
0xaa: {  	[dreg:$0x0] =	wrdreg $0x60  }
0xab: {  	[dreg:$0x2] =	wrdreg s0  }
0xac: {  	[dreg:$0x3] =	wrdreg s22  }
0xad: {  	[dreg:$0x4] =	wrdreg $0x9  }
0xae: {  	_ =	task.clear_ibuf [dreg:s5], $0x5FFFF;
	_ =	strace $0x90000046  }
0xaf: {  	s26 =	simm.s32 $0x9;
	_ =	strace $0x80000048  }
0xb0: {  	_ =	swait.ge [sflag:s26], $0x1  }
0xb1: {  	[sflag:s26] =	ssyncadd.s32 $0xFFFFFFFF  }
0xb2: {  	_ =	strace $0x90000048  }
0xb3: {  	_ =	sfence  }
0xb4: {  	s28 =	sld [smem:$0x0];
	_ =	sdelay $0x1  }
0xb5: {  	s29 =	srdreg.scid  }
0xb6: {  	s30 =	sshll.u32 s29, $0xD;
	s31 =	sshrl.u32 s29, $0x2  }
0xb7: {  	s2 =	sand.u32 $0x4000, s30;
	s1 =	sand.u32 $0x1, s29;
	s0 =	sadd.s32 s31, s28  }
0xb8: {  	s1 =	sor.u32 s2, s1;
	s0 =	sshll.u32 s0, $0x11  }
0xb9: {  	s0 =	sor.u32 s0, s1  }
0xba: {  	s0 =	sadd.s32 $0x8F2B, s0  }
0xbb: {  	[sflag:s0] =	ssyncadd.remote.s32 $0x1  }
0xbc: {  	_ =	sfence.sel $0xFFFF  }
0xbd: {  	[dreg:$0x0] =	wrdreg $0xFFFFFFFF;
	(pc) =	sbr.abs _section_cstart, $3  }
0xbe: {  	[dreg:$0x1] =	wrdreg $0xFFFFFFFF  }
0xbf: {  	_ =	task.clear_ibuf [dreg:s5], $0x2FFFF;
	_ =	strace $0x9FFFFFFF  }
0xc0: {  	(tm) =	ssettm $0x7FFFFFFF  }
0xc1: {  	_ =	shalt  }
tec
execute0_lowered:
.L_overlay_start_1:
0x0: {  	(tag) =	ssettag $0x1  }
0x1: {  	s2 =	rddreg [dreg:$0x0]  }
0x2: {  	s3 =	rddreg [dreg:$0x1];
	s1 =	stileid.u32  }
0x3: {  	s0 =	rddreg [dreg:$0x2];
	s4 =	simm.s32 $0x0;
	s5 =	sshll.u32 s1, $0x6  }
0x4: {  	[smem:$0x7FF] =	sst s4;
	s5 =	sadd.s32 s5, s3  }
0x5: {  	s20 =	simm.s32 $0x6;
	_ =	strace $0x80000047;
	s5 =	sadd.s32 $0x800, s5  }
0x6: {  	[tilespmem:s4], [sflag:$0x6] =	stream.linear.gather [hbm4b:s5+s4], $0x200, $0x38;
	[tilespmem:$0x10200] =	vst v63  }
0x7: {  	_ =	swait.ge [sflag:s20], $0x200  }
0x8: {  	[sflag:s20] =	ssyncset.done $0x0  }
0x9: {  	s21 =	simm.s32 $0x80;
	s6 =	simm.s32 $0x200;
	[sflag:s20] =	ssyncadd.s32 $0xFFFFFE00  }
0xa: {  	[tilespmem:s6], [sflag:$0x2] =	stream.indirect.gather [hbm4b:s2+s21], $0x80, s4, s21, $0xb8;
	[tilespmem:$0x10200] =	vst v63  }
0xb: {  	s7 =	simm.s32 $0x4200  }
0xc: {  	[tilespmem:s7], [sflag:$0x3] =	stream.indirect.gather [hbm4b:s2+s21], $0x80, s21, s21, $0xb8;
	[tilespmem:$0x10200] =	vst v63  }
0xd: {  	s8 =	simm.s32 $0x100;
	s9 =	simm.s32 $0x8200  }
0xe: {  	[tilespmem:s9], [sflag:$0x4] =	stream.indirect.gather [hbm4b:s2+s21], $0x80, s8, s21, $0xb8;
	[tilespmem:$0x10200] =	vst v63  }
0xf: {  	s22 =	simm.s32 $0x180;
	s10 =	simm.s32 $0xC200;
	s23 =	simm.s32 $0x2  }
0x10: {  	[tilespmem:s10], [sflag:$0x5] =	stream.indirect.gather [hbm4b:s2+s21], $0x80, s22, s21, $0xb8;
	[tilespmem:$0x10200] =	vst v63  }
0x11: {  	s24 =	sshll.u32 s1, $0xD;
	_ =	swait.ge [sflag:s23], $0x4000  }
0x12: {  	s3 =	sadd.s32 s24, s3;
	[sflag:s23] =	ssyncset.done $0x0  }
0x13: {  	s25 =	simm.s32 $0x3;
	s5 =	sadd.s32 $0xC00, s3;
	[sflag:s23] =	ssyncadd.s32 $0xFFFFC000  }
0x14: {  	[hbm4b:s5+s4] =	stream.linear.scatter [tilespmem:s6], [sflag:$0x1], $0x4000, $0x38;
	[tilespmem:$0x10200] =	vst v63  }
0x15: {  	_ =	swait.ge [sflag:s25], $0x4000  }
0x16: {  	[sflag:s25] =	ssyncset.done $0x0  }
0x17: {  	s28 =	simm.s32 $0x4;
	s26 =	sadd.s32 $0x1400, s3;
	[sflag:s25] =	ssyncadd.s32 $0xFFFFC000  }
0x18: {  	[hbm4b:s26+s4] =	stream.linear.scatter [tilespmem:s7], [sflag:$0x1], $0x4000, $0x38;
	[tilespmem:$0x10200] =	vst v63  }
0x19: {  	_ =	swait.ge [sflag:s28], $0x4000  }
0x1a: {  	[sflag:s28] =	ssyncset.done $0x0  }
0x1b: {  	s30 =	simm.s32 $0x5;
	s29 =	sadd.s32 $0x1C00, s3;
	[sflag:s28] =	ssyncadd.s32 $0xFFFFC000  }
0x1c: {  	[hbm4b:s29+s4] =	stream.linear.scatter [tilespmem:s9], [sflag:$0x1], $0x4000, $0x38;
	[tilespmem:$0x10200] =	vst v63  }
0x1d: {  	_ =	swait.ge [sflag:s30], $0x4000  }
0x1e: {  	[sflag:s30] =	ssyncset.done $0x0  }
0x1f: {  	s31 =	simm.s32 $0x1;
	s3 =	sadd.s32 $0x2400, s3;
	[sflag:s30] =	ssyncadd.s32 $0xFFFFC000  }
0x20: {  	[hbm4b:s3+s4] =	stream.linear.scatter [tilespmem:s10], [sflag:$0x1], $0x4000, $0x38;
	[tilespmem:$0x10200] =	vst v63  }
0x21: {  	_ =	swait.ge [sflag:s31], $0x4000  }
0x22: {  	[sflag:s31] =	ssyncset.done $0x0  }
0x23: {  	[sflag:s31] =	ssyncadd.s32 $0xFFFFC000  }
0x24: {  	_ =	swait.ge [sflag:s31], $0x4000  }
0x25: {  	[sflag:s31] =	ssyncset.done $0x0  }
0x26: {  	[sflag:s31] =	ssyncadd.s32 $0xFFFFC000  }
0x27: {  	_ =	swait.ge [sflag:s31], $0x4000  }
0x28: {  	[sflag:s31] =	ssyncset.done $0x0  }
0x29: {  	[sflag:s31] =	ssyncadd.s32 $0xFFFFC000  }
0x2a: {  	_ =	swait.ge [sflag:s31], $0x4000  }
0x2b: {  	[sflag:s31] =	ssyncset.done $0x0  }
0x2c: {  	[sflag:s31] =	ssyncadd.s32 $0xFFFFC000  }
0x2d: {  	_ =	sfence.sel $0x180000  }
0x2e: {  	[bflag:$0x0] =	sbarrier.arrive $0xFFFF  }
0x2f: {  	p0 =	sne.s32 s1, $0x0;
	_ =	strace $0x90000047  }
0x30: {  	s0 =	sadd.s32 @!p0 $0x100000, s0;
	[bflag:$0x2] =	sbarrier.arrive $0xFFFF  }
0x31: {  	[sflag:s0] =	ssyncadd.tile.s32 @!p0 $0x1;
	_ =	shalt  }
.Lfunc_end2:
_tile_overlayer_lowered:
.L_overlay_start_2:
0x32: {  	(tag) =	ssettag $0x2  }
0x33: {  	s0 =	rddreg [dreg:$0x0];
	s2 =	stileid.u32  }
0x34: {  	s1 =	rddreg [dreg:$0x1];
	p0 =	sne.s32 s2, $0x0  }
0x35: {  	s3 =	rddreg [dreg:$0x2];
	[bflag:$0x3] =	sbarrier.arrive $0xFFFF;
	s2 =	simm.s32 @!p0 $0x1C06  }
0x36: {  	[timem:s3], [sflag:s2] =	dma.local @!p0 [hbm:s0], s1  }
0x37: {  	s0 =	simm.s32 @!p0 $0x6  }
0x38: {  	_ =	swait.ge @!p0 [sflag:s0], s1  }
0x39: {  	s1 =	ssub.s32 @!p0 $0x0, s1;
	[sflag:s0] =	ssyncset.done @!p0 $0x0  }
0x3a: {  	[sflag:s0] =	ssyncadd.s32 @!p0 s1  }
0x3b: {  	[bflag:$0x3] =	sbarrier.arrive $0xFFFF  }
0x3c: {  	_ =	shalt  }

</sc_bundles>
